<compile_context>
chip_gen: v7x
topology: tpu7x:2x2x1
jax: 0.10.2.dev20260603
libtpu: 0.0.44.dev20260713+nightly
codegen_flags: <defaults>
</compile_context>

<pallas_src>
import functools

import jax
import jax.numpy as jnp
from jax import lax
from jax.experimental import pallas as pl
from jax.experimental.pallas import tpu as pltpu
from jax.experimental.pallas import tpu_sc as plsc

B = 8
H = 224
W = 224
NPTS = 2048
NTILES = 16
TPB = NTILES // B
RPT = H // TPB
L = 16


def _sc_clickmap(points_t):
    mesh = plsc.VectorSubcoreMesh(core_axis_name="c", subcore_axis_name="s", num_cores=1)

    @functools.partial(
        pl.kernel,
        mesh=mesh,
        out_type=jax.ShapeDtypeStruct((B, 1, H, W), jnp.float32),
        scratch_types=[
            pltpu.VMEM((NPTS,), jnp.int32),
            pltpu.VMEM((NPTS,), jnp.int32),
            pltpu.VMEM((RPT, W), jnp.float32),
            pltpu.SemaphoreType.DMA,
        ],
        compiler_params=pltpu.CompilerParams(needs_layout_passes=False),
    )
    def clickmap_kernel(points_hbm, out_hbm, rows_v, cols_v, band_v, sem):
        cid = lax.axis_index("c")
        sid = lax.axis_index("s")
        wid = sid + cid
        batch = wid // TPB
        row_lo = (wid % TPB) * RPT

        cp_r = pltpu.async_copy(points_hbm.at[batch, 0], rows_v, sem)
        cp_c = pltpu.async_copy(points_hbm.at[batch, 1], cols_v, sem)

        zeros_f = jnp.zeros((L,), jnp.float32)

        @plsc.parallel_loop(0, RPT, unroll=2)
        def _zero(rr):
            for cc in range(W // L):
                band_v[rr, pl.ds(cc * L, L)] = zeros_f

        cp_r.wait()
        cp_c.wait()

        ones_f = jnp.ones((L,), jnp.float32)

        @plsc.parallel_loop(0, NPTS // L, unroll=4)
        def _scatter(j):
            r = rows_v[pl.ds(j * L, L)]
            c = cols_v[pl.ds(j * L, L)]
            lr = r - row_lo
            mask = (lr >= 0) & (lr < RPT)
            safe_r = jnp.where(mask, lr, 0)
            plsc.store_scatter(band_v, [safe_r, c], ones_f, mask=mask)

        pltpu.sync_copy(band_v, out_hbm.at[batch, 0, pl.ds(row_lo, RPT)])

    return clickmap_kernel(points_t)


def kernel(x, points):
    del x
    return _sc_clickmap(points.transpose(0, 2, 1))

# --- scband reference (transcript-rebuilt; emitter-appended) ---
"""Pipeline reference for scband-click-map-90434831384842 (READ-ONLY COPY).

The authoritative reference and input builder live on the scoring server;
editing this copy changes nothing except your own understanding.
"""

import jax, jax.numpy as jnp
import numpy as np


def setup_inputs(seed: int = 0) -> dict:
    key = jax.random.key(seed)
    k1, k2 = jax.random.split(key)
    x = jax.random.normal(k1, (8, 96, 224, 224), dtype=jnp.float32)
    points = jax.random.randint(k2, (8, 2048, 2), 0, 224, dtype=jnp.int64 if jax.config.read('jax_enable_x64') else jnp.int32)
    points = points.astype(jnp.int32)
    return {"x": x, "points": points}


def reference(x, points):
    b, _, h, w = x.shape
    # flat_indices = points[:, :, 0] * w + points[:, :, 1]
    flat_indices = points[:, :, 0] * w + points[:, :, 1]
    valid = flat_indices >= 0
    # clamp invalid (negative) indices to 0; use scatter-max of 0 there (no-op on zero-initialized map)
    safe_idx = jnp.where(valid, flat_indices, 0)
    clickmap = jnp.zeros((b, h * w), dtype=jnp.float32)
    batch_idx = jnp.arange(b)[:, None]
    # torch scatter(0, idx, 1) onto zeros == scatter-max with 1 at valid positions
    clickmap = clickmap.at[batch_idx, safe_idx].max(valid.astype(jnp.float32))
    return clickmap.reshape(b, 1, h, w)

if __name__ == "__main__":
    import jax
    _d = setup_inputs()
    print(jax.jit(kernel)(*tuple(_d.values())))

</pallas_src>

<mosaic_0001>
#map = affine_map<(d0, d1) -> (0, 0, 0)>
#map1 = affine_map<(d0, d1) -> (0, 0, 0, 0)>
module attributes {stable_mosaic.version = 14 : i64} {
  func.func @clickmap_kernel(%arg0: i32, %arg1: i32, %arg2: memref<8x2x2048xi32, #tpu.memory_space<hbm>>, %arg3: memref<8x1x224x224xf32, #tpu.memory_space<hbm>>, %arg4: memref<2048xi32, #tpu.memory_space<vmem>>, %arg5: memref<2048xi32, #tpu.memory_space<vmem>>, %arg6: memref<112x224xf32, #tpu.memory_space<vmem>>, %arg7: memref<!tpu.dma_semaphore, #tpu.memory_space<semaphore_mem>>) attributes {dimension_semantics = [#tpu.dimension_semantics<core_parallel>, #tpu.dimension_semantics<subcore_parallel>], iteration_bounds = array<i64: 1, 16>, scalar_prefetch = 0 : i64, scratch_operands = 4 : i64, tpu.core_type = #tpu.core_type<sc_vector_subcore>, window_params = [{transform_indices = #map}, {transform_indices = #map1}]} {
    %add3A = arith.addi %arg1, %arg0 : i32
    %jit3A = arith.constant 2 : i32
    %div3A = arith.divsi %add3A, %jit3A : i32
    %sign3A = arith.constant 0 : i32
    %sign3A_0 = arith.cmpi sgt, %add3A, %sign3A : i32
    %sign3A_1 = arith.extui %sign3A_0 : i1 to i32
    %sign3A_2 = arith.constant 0 : i32
    %sign3A_3 = arith.cmpi slt, %add3A, %sign3A_2 : i32
    %sign3A_4 = arith.extui %sign3A_3 : i1 to i32
    %sign3A_5 = arith.subi %sign3A_1, %sign3A_4 : i32
    %sign3A_6 = arith.constant 0 : i32
    %sign3A_7 = arith.cmpi sgt, %jit3A, %sign3A_6 : i32
    %sign3A_8 = arith.extui %sign3A_7 : i1 to i32
    %sign3A_9 = arith.constant 0 : i32
    %sign3A_10 = arith.cmpi slt, %jit3A, %sign3A_9 : i32
    %sign3A_11 = arith.extui %sign3A_10 : i1 to i32
    %sign3A_12 = arith.subi %sign3A_8, %sign3A_11 : i32
    %ne3A = arith.cmpi ne, %sign3A_5, %sign3A_12 : i32
    %rem3A = arith.remsi %add3A, %jit3A : i32
    %ne3A_13 = arith.constant 0 : i32
    %ne3A_14 = arith.cmpi ne, %rem3A, %ne3A_13 : i32
    %and3A = arith.andi %ne3A, %ne3A_14 : i1
    %sub3A = arith.constant 1 : i32
    %sub3A_15 = arith.subi %div3A, %sub3A : i32
    %select_n3A = arith.select %and3A, %sub3A_15, %div3A : i32
    %jit3A_16 = arith.constant 2 : i32
    %eq3A = arith.constant 0 : i32
    %eq3A_17 = arith.cmpi eq, %jit3A_16, %eq3A : i32
    %jit3A_18 = arith.constant 1 : i32
    %select_n3A_19 = arith.select %eq3A_17, %jit3A_18, %jit3A_16 : i32
    %rem3A_20 = arith.remsi %add3A, %select_n3A_19 : i32
    %ne3A_21 = arith.constant 0 : i32
    %ne3A_22 = arith.cmpi ne, %rem3A_20, %ne3A_21 : i32
    %lt3A = arith.constant 0 : i32
    %lt3A_23 = arith.cmpi slt, %rem3A_20, %lt3A : i32
    %lt3A_24 = arith.constant 0 : i32
    %lt3A_25 = arith.cmpi slt, %select_n3A_19, %lt3A_24 : i32
    %ne3A_26 = arith.xori %lt3A_23, %lt3A_25 : i1
    %and3A_27 = arith.andi %ne3A_26, %ne3A_22 : i1
    %add3A_28 = arith.addi %rem3A_20, %select_n3A_19 : i32
    %select_n3A_29 = arith.select %and3A_27, %add3A_28, %rem3A_20 : i32
    %mul3A = arith.constant 112 : i32
    %mul3A_30 = arith.muli %select_n3A_29, %mul3A : i32
    %dma_start3A = arith.constant 0 : i32
    %dma_start3A_31 = arith.constant 0 : i32
    %dma_start3A_32 = tpu.memref_slice %arg2[%select_n3A, %dma_start3A, %dma_start3A_31] : memref<8x2x2048xi32, #tpu.memory_space<hbm>> -> memref<1x1x2048xi32, #tpu.memory_space<hbm>>
    %dma_start3A_33 = tpu.memref_squeeze %dma_start3A_32 : memref<1x1x2048xi32, #tpu.memory_space<hbm>> -> memref<2048xi32, #tpu.memory_space<hbm>>
    %dma_start3A_34 = arith.constant 0 : i32
    %dma_start3A_35 = tpu.memref_slice %arg2[%select_n3A, %dma_start3A, %dma_start3A_34] : memref<8x2x2048xi32, #tpu.memory_space<hbm>> -> memref<1x1x2048xi32, #tpu.memory_space<hbm>>
    %dma_start3A_36 = tpu.memref_squeeze %dma_start3A_35 : memref<1x1x2048xi32, #tpu.memory_space<hbm>> -> memref<2048xi32, #tpu.memory_space<hbm>>
    tpu.enqueue_dma source(%dma_start3A_36 : memref<2048xi32, #tpu.memory_space<hbm>>) target(%arg4 : memref<2048xi32, #tpu.memory_space<vmem>>) target_semaphore(%arg7 : memref<!tpu.dma_semaphore, #tpu.memory_space<semaphore_mem>>)
    %dma_start3A_37 = arith.constant 1 : i32
    %dma_start3A_38 = arith.constant 0 : i32
    %dma_start3A_39 = tpu.memref_slice %arg2[%select_n3A, %dma_start3A_37, %dma_start3A_38] : memref<8x2x2048xi32, #tpu.memory_space<hbm>> -> memref<1x1x2048xi32, #tpu.memory_space<hbm>>
    %dma_start3A_40 = tpu.memref_squeeze %dma_start3A_39 : memref<1x1x2048xi32, #tpu.memory_space<hbm>> -> memref<2048xi32, #tpu.memory_space<hbm>>
    %dma_start3A_41 = arith.constant 0 : i32
    %dma_start3A_42 = tpu.memref_slice %arg2[%select_n3A, %dma_start3A_37, %dma_start3A_41] : memref<8x2x2048xi32, #tpu.memory_space<hbm>> -> memref<1x1x2048xi32, #tpu.memory_space<hbm>>
    %dma_start3A_43 = tpu.memref_squeeze %dma_start3A_42 : memref<1x1x2048xi32, #tpu.memory_space<hbm>> -> memref<2048xi32, #tpu.memory_space<hbm>>
    tpu.enqueue_dma source(%dma_start3A_43 : memref<2048xi32, #tpu.memory_space<hbm>>) target(%arg5 : memref<2048xi32, #tpu.memory_space<vmem>>) target_semaphore(%arg7 : memref<!tpu.dma_semaphore, #tpu.memory_space<semaphore_mem>>)
    %broadcast_in_dim3A = arith.constant 0.000000e+00 : f32
    %broadcast_in_dim3A_44 = vector.broadcast %broadcast_in_dim3A : f32 to vector<16xf32>
    %parallel_loop3A = arith.constant 0 : i32
    %parallel_loop3A_45 = arith.constant 112 : i32
    %parallel_loop3A_46 = arith.constant 1 : i32
    scf.for %parallel_loop3A_65 = %parallel_loop3A to %parallel_loop3A_45 step %parallel_loop3A_46  : i32 {
      %parallel_loop3A_66 = arith.index_cast %parallel_loop3A_65 : i32 to index
      %parallel_loop3A_67 = arith.constant 0 : index
      %parallel_loop3A_68 = tpu.vector_load %arg6[%parallel_loop3A_66, %parallel_loop3A_67] {strides = array<i32>} : memref<112x224xf32, #tpu.memory_space<vmem>>, vector<16xf32>,
      tpu.vector_store %arg6[%parallel_loop3A_66, %parallel_loop3A_67], %broadcast_in_dim3A_44 {strides = array<i32>} : memref<112x224xf32, #tpu.memory_space<vmem>>, vector<16xf32>,
      %parallel_loop3A_69 = arith.index_cast %parallel_loop3A_65 : i32 to index
      %parallel_loop3A_70 = arith.constant 16 : index
      %parallel_loop3A_71 = tpu.vector_load %arg6[%parallel_loop3A_69, %parallel_loop3A_70] {strides = array<i32>} : memref<112x224xf32, #tpu.memory_space<vmem>>, vector<16xf32>,
      tpu.vector_store %arg6[%parallel_loop3A_69, %parallel_loop3A_70], %broadcast_in_dim3A_44 {strides = array<i32>} : memref<112x224xf32, #tpu.memory_space<vmem>>, vector<16xf32>,
      %parallel_loop3A_72 = arith.index_cast %parallel_loop3A_65 : i32 to index
      %parallel_loop3A_73 = arith.constant 32 : index
      %parallel_loop3A_74 = tpu.vector_load %arg6[%parallel_loop3A_72, %parallel_loop3A_73] {strides = array<i32>} : memref<112x224xf32, #tpu.memory_space<vmem>>, vector<16xf32>,
      tpu.vector_store %arg6[%parallel_loop3A_72, %parallel_loop3A_73], %broadcast_in_dim3A_44 {strides = array<i32>} : memref<112x224xf32, #tpu.memory_space<vmem>>, vector<16xf32>,
      %parallel_loop3A_75 = arith.index_cast %parallel_loop3A_65 : i32 to index
      %parallel_loop3A_76 = arith.constant 48 : index
      %parallel_loop3A_77 = tpu.vector_load %arg6[%parallel_loop3A_75, %parallel_loop3A_76] {strides = array<i32>} : memref<112x224xf32, #tpu.memory_space<vmem>>, vector<16xf32>,
      tpu.vector_store %arg6[%parallel_loop3A_75, %parallel_loop3A_76], %broadcast_in_dim3A_44 {strides = array<i32>} : memref<112x224xf32, #tpu.memory_space<vmem>>, vector<16xf32>,
      %parallel_loop3A_78 = arith.index_cast %parallel_loop3A_65 : i32 to index
      %parallel_loop3A_79 = arith.constant 64 : index
      %parallel_loop3A_80 = tpu.vector_load %arg6[%parallel_loop3A_78, %parallel_loop3A_79] {strides = array<i32>} : memref<112x224xf32, #tpu.memory_space<vmem>>, vector<16xf32>,
      tpu.vector_store %arg6[%parallel_loop3A_78, %parallel_loop3A_79], %broadcast_in_dim3A_44 {strides = array<i32>} : memref<112x224xf32, #tpu.memory_space<vmem>>, vector<16xf32>,
      %parallel_loop3A_81 = arith.index_cast %parallel_loop3A_65 : i32 to index
      %parallel_loop3A_82 = arith.constant 80 : index
      %parallel_loop3A_83 = tpu.vector_load %arg6[%parallel_loop3A_81, %parallel_loop3A_82] {strides = array<i32>} : memref<112x224xf32, #tpu.memory_space<vmem>>, vector<16xf32>,
      tpu.vector_store %arg6[%parallel_loop3A_81, %parallel_loop3A_82], %broadcast_in_dim3A_44 {strides = array<i32>} : memref<112x224xf32, #tpu.memory_space<vmem>>, vector<16xf32>,
      %parallel_loop3A_84 = arith.index_cast %parallel_loop3A_65 : i32 to index
      %parallel_loop3A_85 = arith.constant 96 : index
      %parallel_loop3A_86 = tpu.vector_load %arg6[%parallel_loop3A_84, %parallel_loop3A_85] {strides = array<i32>} : memref<112x224xf32, #tpu.memory_space<vmem>>, vector<16xf32>,
      tpu.vector_store %arg6[%parallel_loop3A_84, %parallel_loop3A_85], %broadcast_in_dim3A_44 {strides = array<i32>} : memref<112x224xf32, #tpu.memory_space<vmem>>, vector<16xf32>,
      %parallel_loop3A_87 = arith.index_cast %parallel_loop3A_65 : i32 to index
      %parallel_loop3A_88 = arith.constant 112 : index
      %parallel_loop3A_89 = tpu.vector_load %arg6[%parallel_loop3A_87, %parallel_loop3A_88] {strides = array<i32>} : memref<112x224xf32, #tpu.memory_space<vmem>>, vector<16xf32>,
      tpu.vector_store %arg6[%parallel_loop3A_87, %parallel_loop3A_88], %broadcast_in_dim3A_44 {strides = array<i32>} : memref<112x224xf32, #tpu.memory_space<vmem>>, vector<16xf32>,
      %parallel_loop3A_90 = arith.index_cast %parallel_loop3A_65 : i32 to index
      %parallel_loop3A_91 = arith.constant 128 : index
      %parallel_loop3A_92 = tpu.vector_load %arg6[%parallel_loop3A_90, %parallel_loop3A_91] {strides = array<i32>} : memref<112x224xf32, #tpu.memory_space<vmem>>, vector<16xf32>,
      tpu.vector_store %arg6[%parallel_loop3A_90, %parallel_loop3A_91], %broadcast_in_dim3A_44 {strides = array<i32>} : memref<112x224xf32, #tpu.memory_space<vmem>>, vector<16xf32>,
      %parallel_loop3A_93 = arith.index_cast %parallel_loop3A_65 : i32 to index
      %parallel_loop3A_94 = arith.constant 144 : index
      %parallel_loop3A_95 = tpu.vector_load %arg6[%parallel_loop3A_93, %parallel_loop3A_94] {strides = array<i32>} : memref<112x224xf32, #tpu.memory_space<vmem>>, vector<16xf32>,
      tpu.vector_store %arg6[%parallel_loop3A_93, %parallel_loop3A_94], %broadcast_in_dim3A_44 {strides = array<i32>} : memref<112x224xf32, #tpu.memory_space<vmem>>, vector<16xf32>,
      %parallel_loop3A_96 = arith.index_cast %parallel_loop3A_65 : i32 to index
      %parallel_loop3A_97 = arith.constant 160 : index
      %parallel_loop3A_98 = tpu.vector_load %arg6[%parallel_loop3A_96, %parallel_loop3A_97] {strides = array<i32>} : memref<112x224xf32, #tpu.memory_space<vmem>>, vector<16xf32>,
      tpu.vector_store %arg6[%parallel_loop3A_96, %parallel_loop3A_97], %broadcast_in_dim3A_44 {strides = array<i32>} : memref<112x224xf32, #tpu.memory_space<vmem>>, vector<16xf32>,
      %parallel_loop3A_99 = arith.index_cast %parallel_loop3A_65 : i32 to index
      %parallel_loop3A_100 = arith.constant 176 : index
      %parallel_loop3A_101 = tpu.vector_load %arg6[%parallel_loop3A_99, %parallel_loop3A_100] {strides = array<i32>} : memref<112x224xf32, #tpu.memory_space<vmem>>, vector<16xf32>,
      tpu.vector_store %arg6[%parallel_loop3A_99, %parallel_loop3A_100], %broadcast_in_dim3A_44 {strides = array<i32>} : memref<112x224xf32, #tpu.memory_space<vmem>>, vector<16xf32>,
      %parallel_loop3A_102 = arith.index_cast %parallel_loop3A_65 : i32 to index
      %parallel_loop3A_103 = arith.constant 192 : index
      %parallel_loop3A_104 = tpu.vector_load %arg6[%parallel_loop3A_102, %parallel_loop3A_103] {strides = array<i32>} : memref<112x224xf32, #tpu.memory_space<vmem>>, vector<16xf32>,
      tpu.vector_store %arg6[%parallel_loop3A_102, %parallel_loop3A_103], %broadcast_in_dim3A_44 {strides = array<i32>} : memref<112x224xf32, #tpu.memory_space<vmem>>, vector<16xf32>,
      %parallel_loop3A_105 = arith.index_cast %parallel_loop3A_65 : i32 to index
      %parallel_loop3A_106 = arith.constant 208 : index
      %parallel_loop3A_107 = tpu.vector_load %arg6[%parallel_loop3A_105, %parallel_loop3A_106] {strides = array<i32>} : memref<112x224xf32, #tpu.memory_space<vmem>>, vector<16xf32>,
      tpu.vector_store %arg6[%parallel_loop3A_105, %parallel_loop3A_106], %broadcast_in_dim3A_44 {strides = array<i32>} : memref<112x224xf32, #tpu.memory_space<vmem>>, vector<16xf32>,
    } {sc.loop_unroll_factor = 2 : i64, sc.parallel_access}
    %dma_wait3A = arith.constant 0 : i32
    %dma_wait3A_47 = arith.constant 0 : i32
    %dma_wait3A_48 = tpu.memref_slice %arg2[%select_n3A, %dma_wait3A, %dma_wait3A_47] : memref<8x2x2048xi32, #tpu.memory_space<hbm>> -> memref<1x1x2048xi32, #tpu.memory_space<hbm>>
    %dma_wait3A_49 = tpu.memref_squeeze %dma_wait3A_48 : memref<1x1x2048xi32, #tpu.memory_space<hbm>> -> memref<2048xi32, #tpu.memory_space<hbm>>
    %dma_wait3A_50 = arith.constant 0 : i32
    %dma_wait3A_51 = tpu.memref_slice %arg2[%select_n3A, %dma_wait3A, %dma_wait3A_50] : memref<8x2x2048xi32, #tpu.memory_space<hbm>> -> memref<1x1x2048xi32, #tpu.memory_space<hbm>>
    %dma_wait3A_52 = tpu.memref_squeeze %dma_wait3A_51 : memref<1x1x2048xi32, #tpu.memory_space<hbm>> -> memref<2048xi32, #tpu.memory_space<hbm>>
    tpu.wait_dma2 semaphore(%arg7 : memref<!tpu.dma_semaphore, #tpu.memory_space<semaphore_mem>>) src(%dma_wait3A_52 : memref<2048xi32, #tpu.memory_space<hbm>>) dst(%arg4 : memref<2048xi32, #tpu.memory_space<vmem>>)
    %dma_wait3A_53 = arith.constant 1 : i32
    %dma_wait3A_54 = arith.constant 0 : i32
    %dma_wait3A_55 = tpu.memref_slice %arg2[%select_n3A, %dma_wait3A_53, %dma_wait3A_54] : memref<8x2x2048xi32, #tpu.memory_space<hbm>> -> memref<1x1x2048xi32, #tpu.memory_space<hbm>>
    %dma_wait3A_56 = tpu.memref_squeeze %dma_wait3A_55 : memref<1x1x2048xi32, #tpu.memory_space<hbm>> -> memref<2048xi32, #tpu.memory_space<hbm>>
    %dma_wait3A_57 = arith.constant 0 : i32
    %dma_wait3A_58 = tpu.memref_slice %arg2[%select_n3A, %dma_wait3A_53, %dma_wait3A_57] : memref<8x2x2048xi32, #tpu.memory_space<hbm>> -> memref<1x1x2048xi32, #tpu.memory_space<hbm>>
    %dma_wait3A_59 = tpu.memref_squeeze %dma_wait3A_58 : memref<1x1x2048xi32, #tpu.memory_space<hbm>> -> memref<2048xi32, #tpu.memory_space<hbm>>
    tpu.wait_dma2 semaphore(%arg7 : memref<!tpu.dma_semaphore, #tpu.memory_space<semaphore_mem>>) src(%dma_wait3A_59 : memref<2048xi32, #tpu.memory_space<hbm>>) dst(%arg5 : memref<2048xi32, #tpu.memory_space<vmem>>)
    %broadcast_in_dim3A_60 = arith.constant 1.000000e+00 : f32
    %broadcast_in_dim3A_61 = vector.broadcast %broadcast_in_dim3A_60 : f32 to vector<16xf32>
    %parallel_loop3A_62 = arith.constant 0 : i32
    %parallel_loop3A_63 = arith.constant 128 : i32
    %parallel_loop3A_64 = arith.constant 1 : i32
    scf.for %parallel_loop3A_65 = %parallel_loop3A_62 to %parallel_loop3A_63 step %parallel_loop3A_64  : i32 {
      %parallel_loop3A_66 = arith.constant 16 : i32
      %parallel_loop3A_67 = arith.muli %parallel_loop3A_65, %parallel_loop3A_66 : i32
      %parallel_loop3A_68 = arith.index_cast %parallel_loop3A_67 : i32 to index
      %parallel_loop3A_69 = tpu.vector_load %arg4[%parallel_loop3A_68] {strides = array<i32>} : memref<2048xi32, #tpu.memory_space<vmem>>, vector<16xi32>,
      %parallel_loop3A_70 = arith.constant 16 : i32
      %parallel_loop3A_71 = arith.muli %parallel_loop3A_65, %parallel_loop3A_70 : i32
      %parallel_loop3A_72 = arith.index_cast %parallel_loop3A_71 : i32 to index
      %parallel_loop3A_73 = tpu.vector_load %arg5[%parallel_loop3A_72] {strides = array<i32>} : memref<2048xi32, #tpu.memory_space<vmem>>, vector<16xi32>,
      %parallel_loop3A_74 = vector.broadcast %mul3A_30 : i32 to vector<16xi32>
      %parallel_loop3A_75 = arith.subi %parallel_loop3A_69, %parallel_loop3A_74 : vector<16xi32>
      %parallel_loop3A_76 = arith.constant 0 : i32
      %parallel_loop3A_77 = vector.broadcast %parallel_loop3A_76 : i32 to vector<16xi32>
      %parallel_loop3A_78 = arith.cmpi sge, %parallel_loop3A_75, %parallel_loop3A_77 : vector<16xi32>
      %parallel_loop3A_79 = arith.constant 112 : i32
      %parallel_loop3A_80 = vector.broadcast %parallel_loop3A_79 : i32 to vector<16xi32>
      %parallel_loop3A_81 = arith.cmpi slt, %parallel_loop3A_75, %parallel_loop3A_80 : vector<16xi32>
      %parallel_loop3A_82 = arith.andi %parallel_loop3A_78, %parallel_loop3A_81 : vector<16xi1>
      %parallel_loop3A_83 = arith.constant 0 : i32
      %parallel_loop3A_84 = vector.broadcast %parallel_loop3A_83 : i32 to vector<16xi32>
      %parallel_loop3A_85 = arith.select %parallel_loop3A_82, %parallel_loop3A_75, %parallel_loop3A_84 : vector<16xi1>, vector<16xi32>
      tpu.vector_store_idx %arg6[%parallel_loop3A_85, %parallel_loop3A_73], %broadcast_in_dim3A_61 masked %parallel_loop3A_82 : memref<112x224xf32, #tpu.memory_space<vmem>>[vector<16xi32>, vector<16xi32>], vector<16xf32>, vector<16xi1>
    } {sc.loop_unroll_factor = 4 : i64, sc.parallel_access}
    %run_scoped3A = arith.constant 0 : i32
    "tpu.region"() ({
      %run_scoped3A_65 = tpu.sem_alloc : memref<!tpu.dma_semaphore, #tpu.memory_space<semaphore_mem>>
      %dma_start3A_66 = arith.constant 0 : i32
      %dma_start3A_67 = tpu.memref_slice %arg3[%select_n3A, %run_scoped3A, %mul3A_30, %dma_start3A_66] : memref<8x1x224x224xf32, #tpu.memory_space<hbm>> -> memref<1x1x112x224xf32, #tpu.memory_space<hbm>>
      %dma_start3A_68 = tpu.memref_squeeze %dma_start3A_67 : memref<1x1x112x224xf32, #tpu.memory_space<hbm>> -> memref<112x224xf32, #tpu.memory_space<hbm>>
      %dma_start3A_69 = arith.constant 0 : i32
      %dma_start3A_70 = tpu.memref_slice %arg3[%select_n3A, %run_scoped3A, %mul3A_30, %dma_start3A_69] : memref<8x1x224x224xf32, #tpu.memory_space<hbm>> -> memref<1x1x112x224xf32, #tpu.memory_space<hbm>>
      %dma_start3A_71 = tpu.memref_squeeze %dma_start3A_70 : memref<1x1x112x224xf32, #tpu.memory_space<hbm>> -> memref<112x224xf32, #tpu.memory_space<hbm>>
      tpu.enqueue_dma source(%arg6 : memref<112x224xf32, #tpu.memory_space<vmem>>) target(%dma_start3A_71 : memref<112x224xf32, #tpu.memory_space<hbm>>) target_semaphore(%run_scoped3A_65 : memref<!tpu.dma_semaphore, #tpu.memory_space<semaphore_mem>>)
      %dma_wait3A_72 = arith.constant 0 : i32
      %dma_wait3A_73 = tpu.memref_slice %arg3[%select_n3A, %run_scoped3A, %mul3A_30, %dma_wait3A_72] : memref<8x1x224x224xf32, #tpu.memory_space<hbm>> -> memref<1x1x112x224xf32, #tpu.memory_space<hbm>>
      %dma_wait3A_74 = tpu.memref_squeeze %dma_wait3A_73 : memref<1x1x112x224xf32, #tpu.memory_space<hbm>> -> memref<112x224xf32, #tpu.memory_space<hbm>>
      %dma_wait3A_75 = arith.constant 0 : i32
      %dma_wait3A_76 = tpu.memref_slice %arg3[%select_n3A, %run_scoped3A, %mul3A_30, %dma_wait3A_75] : memref<8x1x224x224xf32, #tpu.memory_space<hbm>> -> memref<1x1x112x224xf32, #tpu.memory_space<hbm>>
      %dma_wait3A_77 = tpu.memref_squeeze %dma_wait3A_76 : memref<1x1x112x224xf32, #tpu.memory_space<hbm>> -> memref<112x224xf32, #tpu.memory_space<hbm>>
      tpu.wait_dma2 semaphore(%run_scoped3A_65 : memref<!tpu.dma_semaphore, #tpu.memory_space<semaphore_mem>>) src(%arg6 : memref<112x224xf32, #tpu.memory_space<vmem>>) dst(%dma_wait3A_77 : memref<112x224xf32, #tpu.memory_space<hbm>>)
      tpu.yield
    }) : () -> ()
    return
  }
}

</mosaic_0001>

<sc_bundles>
// kernel: kernel.3.cloned.1.call-start
scs
__scs_entry_jumppad:
0x0: {  	(pc) =	sbr.rel $0x88, $3  }
0x1: {  	(tag) =	ssettag $0x0;
	lr =	simm.s32 $0x1  }
0x2: {  	[smem:$0x3FA0] =	sst lr;
	_ =	strace $0xD0000000  }
0x3: {  	_ = 	snop  }
0x4: {  	_ = 	snop  }
0x5: {  	_ = 	snop  }
0x6: {  	_ = 	snop  }
0x7: {  	_ = 	snop  }
__scs_overlays_trampoline_lowered:
0x8: {  	[smem:$0x3FAF] =	sst s0  }
0x9: {  	[smem:$0x3FB0] =	sst s1  }
0xa: {  	[smem:$0x3FB1] =	sst s2  }
0xb: {  	[smem:$0x3FB2] =	sst s3  }
0xc: {  	[smem:$0x3FB3] =	sst s4  }
0xd: {  	[smem:$0x3FB4] =	sst s5  }
0xe: {  	[smem:$0x3FB5] =	sst s6  }
0xf: {  	[smem:$0x3FB6] =	sst s7  }
0x10: {  	[smem:$0x3FB7] =	sst s8  }
0x11: {  	[smem:$0x3FB8] =	sst s9;
	s0 =	simm.s32 @!p0 $0x0  }
0x12: {  	s1 =	sld [smem:$0x3F9E];
	s0 =	simm.s32 @p0 $0x1  }
0x13: {  	[smem:$0x3FB9] =	sst s0;
	s0 =	simm.s32 @!p1 $0x0  }
0x14: {  	s2 =	sld [smem:$0x3F9D];
	s0 =	simm.s32 @p1 $0x1  }
0x15: {  	[smem:$0x3FBA] =	sst s0;
	s0 =	simm.s32 @!p2 $0x0  }
0x16: {  	s3 =	sld [smem:$0x3FDB];
	s0 =	simm.s32 @p2 $0x1  }
0x17: {  	s4 =	simm.s32 $0x1BF5;
	[smem:$0x3FBC] =	sst s0  }
0x18: {  	s0 =	sld [smem:$0x3F9F];
	_ =	swait.ge [sflag:s4], $0x0  }
0x19: {  	s7 =	sld [smem:$0x3FA0]  }
0x1a: {  	s8 =	sadd.s32 $0xFFFFE003, lr  }
0x1b: {  	s9 =	sadd.s32 $0xFFFFFEF7, lr;
	s5 =	simm.s32 $0xFFFFFFFF;
	p2 =	slt.u32 s8, $0xFFFFF086  }
0x1c: {  	p1 =	slt.u32 s9, $0xF7A;
	s5 =	simm.s32 @!p2 $0x0  }
0x1d: {  	s5 =	simm.s32 @p1 $0x1;
	p0 =	seq.s32 s7, s2  }
0x1e: {  	s7 =	smul.u32 @!p0 $0xF7A, s2;
	p2 =	seq.s32 @!p0 s5, $0x0  }
0x1f: {  	s9 =	smul.u32 $0xF7A, s1;
	s8 =	simm.s32 @!p0 $0x1BF5;
	p2 =	por !p2, p0  }
0x20: {  	[sflag:s8] =	ssyncset.s32 @!p0 $0xFFFFF086;
	s6 =	sadd.s32 @!p0 s3, s7;
	s7 =	simm.s32 @!p0 $0x108  }
0x21: {  	s3 =	sadd.s32 s3, s9;
	s6 =	sadd.s32 @!p0 $0x88, s6;
	s7 =	simm.s32 @p2 $0x1082  }
0x22: {  	[simem:s7], [sflag:s8] =	dma.local @!p0 [hbm:s6], $0xF7A  }
0x23: {  	s9 =	sor.u32 $0xD0000000, s2;
	s6 =	simm.s32 $0x108;
	_ =	swait.ge @!p0 [sflag:s8], $0x0  }
0x24: {  	s3 =	sadd.s32 $0x88, s3;
	s6 =	simm.s32 @!p1 $0x1082;
	[sflag:s4] =	ssyncset.s32 $0xFFFFF086  }
0x25: {  	[simem:s6], [sflag:s4] =	dma.local [hbm:s3], $0xF7A  }
0x26: {  	[smem:$0x3FA0] =	sst s1;
	(tag) =	ssettag s2;
	_ =	strace s9  }
0x27: {  	s1 =	sld [smem:$0x3FB0]  }
0x28: {  	s2 =	sld [smem:$0x3FB1]  }
0x29: {  	s4 =	sld [smem:$0x3FB3]  }
0x2a: {  	p0 =	seq.s32 s5, $0x0;
	s5 =	sld [smem:$0x3FB4]  }
0x2b: {  	s6 =	sld [smem:$0x3FB5]  }
0x2c: {  	s7 =	sld [smem:$0x3FB6]  }
0x2d: {  	s3 =	simm.s32 $0x108;
	s8 =	sld [smem:$0x3FB7]  }
0x2e: {  	s3 =	simm.s32 @!p0 $0x1082;
	s9 =	sld [smem:$0x3FB8]  }
0x2f: {  	lr =	sadd.s32 s0, s3;
	s0 =	sld [smem:$0x3FAF]  }
0x30: {  	s3 =	sld [smem:$0x3FB2]  }
0x31: {  	[smem:$0x3FBB] =	sst s10  }
0x32: {  	s10 =	sld [smem:$0x3FB9];
	_ =	sdelay $0x3  }
0x33: {  	p0 =	seq.s32 s10, $0x1;
	s10 =	sld [smem:$0x3FBB];
	_ =	sdelay $0x3  }
0x34: {  	[smem:$0x3FBB] =	sst s10  }
0x35: {  	s10 =	sld [smem:$0x3FBA];
	_ =	sdelay $0x3  }
0x36: {  	p1 =	seq.s32 s10, $0x1;
	s10 =	sld [smem:$0x3FBB];
	_ =	sdelay $0x3  }
0x37: {  	[smem:$0x3FBB] =	sst s10  }
0x38: {  	s10 =	sld [smem:$0x3FBC]  }
0x39: {  	_ = 	snop;
	(pc) =	sbr.ind lr, $3  }
0x3a: {  	_ = 	snop  }
0x3b: {  	_ = 	snop  }
0x3c: {  	p2 =	seq.s32 s10, $0x1;
	s10 =	sld [smem:$0x3FBB]  }
0x3d: {  	_ =	shalt  }
0x3e: {  	_ =	shalt  }
0x3f: {  	_ =	shalt  }
0x40: {  	_ =	shalt  }
0x41: {  	_ =	shalt  }
0x42: {  	_ =	shalt  }
0x43: {  	_ =	shalt  }
0x44: {  	_ =	shalt  }
0x45: {  	_ =	shalt  }
0x46: {  	_ =	shalt  }
0x47: {  	_ =	shalt  }
0x48: {  	_ =	shalt  }
0x49: {  	_ =	shalt  }
0x4a: {  	_ =	shalt  }
0x4b: {  	_ =	shalt  }
0x4c: {  	_ =	shalt  }
0x4d: {  	_ =	shalt  }
0x4e: {  	_ =	shalt  }
0x4f: {  	_ =	shalt  }
0x50: {  	_ =	shalt  }
0x51: {  	_ =	shalt  }
0x52: {  	_ =	shalt  }
0x53: {  	_ =	shalt  }
0x54: {  	_ =	shalt  }
0x55: {  	_ =	shalt  }
0x56: {  	_ =	shalt  }
0x57: {  	_ =	shalt  }
0x58: {  	_ =	shalt  }
0x59: {  	_ =	shalt  }
0x5a: {  	_ =	shalt  }
0x5b: {  	_ =	shalt  }
0x5c: {  	_ =	shalt  }
0x5d: {  	_ =	shalt  }
0x5e: {  	_ =	shalt  }
0x5f: {  	_ =	shalt  }
0x60: {  	_ =	shalt  }
0x61: {  	_ =	shalt  }
0x62: {  	_ =	shalt  }
0x63: {  	_ =	shalt  }
0x64: {  	_ =	shalt  }
0x65: {  	_ =	shalt  }
0x66: {  	_ =	shalt  }
0x67: {  	_ =	shalt  }
0x68: {  	_ =	shalt  }
0x69: {  	_ =	shalt  }
0x6a: {  	_ =	shalt  }
0x6b: {  	_ =	shalt  }
0x6c: {  	_ =	shalt  }
0x6d: {  	_ =	shalt  }
0x6e: {  	_ =	shalt  }
0x6f: {  	_ =	shalt  }
0x70: {  	_ =	shalt  }
0x71: {  	_ =	shalt  }
0x72: {  	_ =	shalt  }
0x73: {  	_ =	shalt  }
0x74: {  	_ =	shalt  }
0x75: {  	_ =	shalt  }
0x76: {  	_ =	shalt  }
0x77: {  	_ =	shalt  }
0x78: {  	_ =	shalt  }
0x79: {  	_ =	shalt  }
0x7a: {  	_ =	shalt  }
0x7b: {  	_ =	shalt  }
0x7c: {  	_ =	shalt  }
0x7d: {  	_ =	shalt  }
0x7e: {  	_ =	shalt  }
0x7f: {  	_ =	shalt  }
0x80: {  	_ =	shalt  }
0x81: {  	_ =	shalt  }
0x82: {  	_ =	shalt  }
0x83: {  	_ =	shalt  }
0x84: {  	_ =	shalt  }
0x85: {  	_ =	shalt  }
0x86: {  	_ =	shalt  }
0x87: {  	_ =	shalt  }
.Lfunc_end0:
.L_simem_size_0:
called_computation_lowered:
.L_overlay_start_0:
0x88: {  	s0 =	sld [smem:$0x3FD9]  }
0x89: {  	s1 =	sld [smem:$0x3FFE];
	_ =	sdelay $0x3  }
0x8a: {  	s0 =	sadd.s32 s1, s0  }
0x8b: {  	[smem:$0x3FC7] =	sst s0  }
0x8c: {  	_ = 	snop  }
0x8d: {  	s0 =	sld [smem:$0x3FC9]  }
0x8e: {  	s17 =	sld [smem:$0x3FD0];
	(tm) =	ssettm $0x1  }
0x8f: {  	s2 =	sld [smem:$0x3FFB];
	_ =	sdelay $0x3  }
0x90: {  	_ =	strace s2  }
0x91: {  	s2 =	sld [smem:$0x3FFC];
	_ =	sdelay $0x3  }
0x92: {  	_ =	strace s2  }
0x93: {  	s2 =	sld [smem:$0x3FFD];
	_ =	sdelay $0x3  }
0x94: {  	_ =	strace s2  }
0x95: {  	_ =	strace $0x8FFFFFFF  }
0x96: {  	s18 =	sld [smem:$0x3FDB];
	_ =	sdelay $0x1  }
0x97: {  	s3 =	simm.s32 $_scs_section_size  }
0x98: {  	s4 =	simm.s32 $_size__tile_overlayer_lowered;
	s5 =	simm.s32 $_tile_overlayer_lowered  }
0x99: {  	s21 =	simm.s32 $0x1BFF;
	s20 =	sshll.u32 s5, $0x1;
	s2 =	sadd.s32 s3, s18  }
0x9a: {  	s6 =	simm.s32 $0x0;
	s19 =	sshll.u32 s4, $0x1;
	s4 =	sadd.s32 s20, s2  }
0x9b: {  	[timem:s6], [sflag:s21] =	dma.local [hbm:s4], s19  }
0x9c: {  	_ =	swait.ge [sflag:s21], s19  }
0x9d: {  	s3 =	ssub.s32 $0x0, s19;
	[sflag:s21] =	ssyncset.done $0x0  }
0x9e: {  	[sflag:s21] =	ssyncadd.s32 s3;
	_ =	sdelay $0x1  }
0x9f: {  	s22 =	simm.s32 $0x1B8B  }
0xa0: {  	_ =	swait.ge [sflag:s22], $0x1  }
0xa1: {  	[sflag:s22] =	ssyncset.done $0x0  }
0xa2: {  	s23 =	simm.s32 $0x1B8E;
	[sflag:s22] =	ssyncadd.s32 $0xFFFFFFFF  }
0xa3: {  	s24 =	simm.s32 $execute0_lowered;
	[smem:$0x3FD2] =	sst s23  }
0xa4: {  	s3 =	sshll.u32 s24, $0x1;
	_ =	strace $0x80000046;
	[dreg:$0x1] =	wrdreg $0xFFFFFFFF  }
0xa5: {  	s25 =	simm.s32 $_size_execute0_lowered;
	s2 =	sadd.s32 s2, s3;
	[dreg:$0x0] =	wrdreg $0x0  }
0xa6: {  	s3 =	sshll.u32 s25, $0x1;
	[dreg:$0x2] =	wrdreg s2  }
0xa7: {  	[dreg:$0x3] =	wrdreg s3  }
0xa8: {  	[dreg:$0x4] =	wrdreg $0xC0  }
0xa9: {  	_ =	task [dreg:s6], $0x5FFFF  }
0xaa: {  	[dreg:$0x1] =	wrdreg $0xFFFFFFFF  }
0xab: {  	[dreg:$0x0] =	wrdreg $0x60  }
0xac: {  	[dreg:$0x2] =	wrdreg s0  }
0xad: {  	[dreg:$0x3] =	wrdreg s17  }
0xae: {  	[dreg:$0x4] =	wrdreg $0x9  }
0xaf: {  	_ =	task.clear_ibuf [dreg:s6], $0x5FFFF;
	_ =	strace $0x90000046  }
0xb0: {  	s26 =	simm.s32 $0x9;
	_ =	strace $0x80000048  }
0xb1: {  	_ =	swait.ge [sflag:s26], $0x1  }
0xb2: {  	[sflag:s26] =	ssyncadd.s32 $0xFFFFFFFF  }
0xb3: {  	_ =	strace $0x90000048  }
0xb4: {  	_ =	sfence  }
0xb5: {  	s28 =	sld [smem:$0x0];
	_ =	sdelay $0x1  }
0xb6: {  	s29 =	srdreg.scid  }
0xb7: {  	s30 =	sshll.u32 s29, $0xD;
	s31 =	sshrl.u32 s29, $0x2  }
0xb8: {  	s1 =	sand.u32 $0x1, s29;
	s2 =	sand.u32 $0x4000, s30;
	s0 =	sadd.s32 s31, s28  }
0xb9: {  	s1 =	sor.u32 s2, s1;
	s0 =	sshll.u32 s0, $0x11  }
0xba: {  	s0 =	sor.u32 s0, s1  }
0xbb: {  	s0 =	sadd.s32 $0x8F2B, s0  }
0xbc: {  	[sflag:s0] =	ssyncadd.remote.s32 $0x1  }
0xbd: {  	_ =	sfence.sel $0xFFFF  }
0xbe: {  	[dreg:$0x0] =	wrdreg $0xFFFFFFFF;
	(pc) =	sbr.abs _section_cstart, $3  }
0xbf: {  	[dreg:$0x1] =	wrdreg $0xFFFFFFFF  }
0xc0: {  	_ =	task.clear_ibuf [dreg:s6], $0x2FFFF;
	_ =	strace $0x9FFFFFFF  }
0xc1: {  	(tm) =	ssettm $0x7FFFFFFF  }
tec
execute0_lowered:
.L_overlay_start_1:
0x0: {  	(tag) =	ssettag $0x1  }
0x1: {  	s4 =	rddreg [dreg:$0x0]  }
0x2: {  	s2 =	rddreg [dreg:$0x1]  }
0x3: {  	s0 =	rddreg [dreg:$0x2];
	s1 =	stileid.u32  }
0x4: {  	s5 =	simm.s32 $0x0;
	s30 =	simm.s32 $0x80;
	s3 =	sshrl.u32 s1, $0x1  }
0x5: {  	s7 =	simm.s32 $0x100;
	[smem:$0x7FF] =	sst s5;
	s6 =	sshll.u32 s3, $0x9  }
0x6: {  	s8 =	simm.s32 $0x800;
	_ =	strace $0x80000047;
	s4 =	sadd.s32 s4, s6  }
0x7: {  	[tilespmem:s5], [sflag:$0x1] =	stream.strided.gather [hbm4b:s4+s30], $0x800, s7, s30, $0x38;
	[tilespmem:$0x8000] =	vst v63  }
0x8: {  	s31 =	sand.u32 $0x7800, s5;
	s4 =	sadd.s32 $0x10, s4;
	s5 =	sand.u32 $0x300, s5  }
0x9: {  	[tilespmem:s8], [sflag:$0x1] =	stream.strided.gather [hbm4b:s4+s30], $0x800, s7, s30, $0x38;
	[tilespmem:$0x8000] =	vst v63  }
0xa: {  	v0 =	vimm.f32 $0.0e+00;
	s4 =	sor.u32 s5, s31  }
0xb: {  	[tilespmem:s4+$0x14D0] =	vst v0  }
0xc: {  	[tilespmem:s4+$0x1000] =	vst v0  }
0xd: {  	[tilespmem:s4+$0x1010] =	vst v0  }
0xe: {  	[tilespmem:s4+$0x1020] =	vst v0  }
0xf: {  	[tilespmem:s4+$0x1030] =	vst v0  }
0x10: {  	[tilespmem:s4+$0x1040] =	vst v0  }
0x11: {  	[tilespmem:s4+$0x1050] =	vst v0  }
0x12: {  	[tilespmem:s4+$0x1060] =	vst v0  }
0x13: {  	[tilespmem:s4+$0x1070] =	vst v0  }
0x14: {  	[tilespmem:s4+$0x1400] =	vst v0  }
0x15: {  	[tilespmem:s4+$0x1410] =	vst v0  }
0x16: {  	[tilespmem:s4+$0x1420] =	vst v0  }
0x17: {  	[tilespmem:s4+$0x1430] =	vst v0  }
0x18: {  	[tilespmem:s4+$0x1440] =	vst v0  }
0x19: {  	[tilespmem:s4+$0x1450] =	vst v0  }
0x1a: {  	[tilespmem:s4+$0x1080] =	vst v0  }
0x1b: {  	[tilespmem:s4+$0x1090] =	vst v0  }
0x1c: {  	[tilespmem:s4+$0x10A0] =	vst v0  }
0x1d: {  	[tilespmem:s4+$0x10B0] =	vst v0  }
0x1e: {  	[tilespmem:s4+$0x10C0] =	vst v0  }
0x1f: {  	[tilespmem:s4+$0x10D0] =	vst v0  }
0x20: {  	[tilespmem:s4+$0x10E0] =	vst v0  }
0x21: {  	[tilespmem:s4+$0x10F0] =	vst v0  }
0x22: {  	[tilespmem:s4+$0x1480] =	vst v0  }
0x23: {  	[tilespmem:s4+$0x1490] =	vst v0  }
0x24: {  	s6 =	simm.s32 $0x100;
	s5 =	simm.s32 $0x0;
	s7 =	simm.s32 $0x200;
	[tilespmem:s4+$0x14A0] =	vst v0  }
.LBB2_1:
0x25: {  	s8 =	sand.u32 $0x7800, s7;
	s9 =	sand.u32 $0x300, s6;
	s5 =	sadd.s32 $0x2, s5;
	[tilespmem:s4+$0x14B0] =	vst v0  }
0x26: {  	p0 =	slt.u32 s5, $0x6E;
	[tilespmem:s4+$0x14C0] =	vst v0;
	s4 =	sor.u32 s9, s8  }
0x27: {  	[tilespmem:s4+$0x14D0] =	vst v0  }
0x28: {  	[tilespmem:s4+$0x1000] =	vst v0  }
0x29: {  	[tilespmem:s4+$0x1010] =	vst v0  }
0x2a: {  	[tilespmem:s4+$0x1020] =	vst v0  }
0x2b: {  	[tilespmem:s4+$0x1030] =	vst v0  }
0x2c: {  	[tilespmem:s4+$0x1040] =	vst v0  }
0x2d: {  	[tilespmem:s4+$0x1050] =	vst v0  }
0x2e: {  	[tilespmem:s4+$0x1060] =	vst v0  }
0x2f: {  	[tilespmem:s4+$0x1070] =	vst v0  }
0x30: {  	[tilespmem:s4+$0x1400] =	vst v0  }
0x31: {  	[tilespmem:s4+$0x1410] =	vst v0  }
0x32: {  	[tilespmem:s4+$0x1420] =	vst v0  }
0x33: {  	[tilespmem:s4+$0x1430] =	vst v0  }
0x34: {  	[tilespmem:s4+$0x1440] =	vst v0  }
0x35: {  	[tilespmem:s4+$0x1450] =	vst v0  }
0x36: {  	[tilespmem:s4+$0x1080] =	vst v0  }
0x37: {  	[tilespmem:s4+$0x1090] =	vst v0  }
0x38: {  	[tilespmem:s4+$0x10A0] =	vst v0  }
0x39: {  	[tilespmem:s4+$0x10B0] =	vst v0  }
0x3a: {  	[tilespmem:s4+$0x10C0] =	vst v0  }
0x3b: {  	[tilespmem:s4+$0x10D0] =	vst v0  }
.Ltmp0:
0x3c: {  	[tilespmem:s4+$0x10E0] =	vst v0;
	(pc) =	sbr.rel @p0 .LBB2_1-.Ltmp0, $4  }
0x3d: {  	[tilespmem:s4+$0x10F0] =	vst v0  }
0x3e: {  	[tilespmem:s4+$0x1480] =	vst v0  }
0x3f: {  	[tilespmem:s4+$0x1490] =	vst v0  }
0x40: {  	s6 =	sadd.s32 $0x100, s6;
	s7 =	sadd.s32 $0x200, s7;
	[tilespmem:s4+$0x14A0] =	vst v0  }
0x41: {  	[tilespmem:s4+$0x14B0] =	vst v0  }
0x42: {  	[tilespmem:s4+$0x14C0] =	vst v0;
	s30 =	simm.s32 $0x1  }
0x43: {  	_ =	swait.ge [sflag:s30], $0x800  }
0x44: {  	[sflag:s30] =	ssyncset.done $0x0  }
0x45: {  	[sflag:s30] =	ssyncadd.s32 $0xFFFFF800  }
0x46: {  	_ =	swait.ge [sflag:s30], $0x800  }
0x47: {  	[sflag:s30] =	ssyncset.done $0x0  }
0x48: {  	s6 =	simm.s32 $0x20;
	[sflag:s30] =	ssyncadd.s32 $0xFFFFF800  }
0x49: {  	v0 =	vld [tilespmem:s6+$0x10]  }
0x4a: {  	v2 =	vld [tilespmem:s6+$0xFFFFFFF0]  }
0x4b: {  	s31 =	sand.u32 $0x1, s1;
	s5 =	simm.s32 $0x820;
	v3 =	vld [tilespmem:s6+$0x0]  }
0x4c: {  	s4 =	simm.s32 $0x70;
	p0 =	seq.s32 s31, $0x1;
	v5 =	vld [tilespmem:s5+$0x10]  }
0x4d: {  	s4 =	simm.s32 @!p0 $0x0;
	v6 =	vld [tilespmem:s6+$0xFFFFFFE0]  }
0x4e: {  	v1 =	vmov s4  }
0x4f: {  	v4 =	vsub.s32 v0, v1  }
0x50: {  	v0 =	vimm.f32 $1.000000000e+00;
	v7 =	vsub.s32 v2, v1;
	vm3 =	vlt.u32 v4, $0x70  }
0x51: {  	v8 =	vsub.s32 v3, v1;
	v10 =	vshll.u32 v5, $0x3;
	v3 =	vnsel vm3, $0x0, v4  }
0x52: {  	v6 =	vsub.s32 v6, v1;
	v5 =	vand.u32 $0x7F, v5;
	v9 =	vshll.u32 v3, $0x8  }
0x53: {  	v2 =	vld [tilespmem:s5+$0xFFFFFFE0];
	v10 =	vand.u32 $0xFFFFFC00, v10;
	v11 =	vshll.u32 v3, $0x7;
	v9 =	vand.u32 $0xFFFFF800, v9  }
0x54: {  	vm2 =	vlt.u32 v8, $0x70;
	v4 =	vld [tilespmem:s5+$0xFFFFFFF0];
	v9 =	vadd.s32 v10, v9;
	v10 =	vand.u32 $0x380, v11  }
0x55: {  	vm1 =	vlt.u32 v7, $0x70;
	v15 =	vnsel vm2, $0x0, v8;
	v9 =	vor.u32 v10, v9  }
0x56: {  	vm0 =	vlt.u32 v6, $0x70;
	v3 =	vld [tilespmem:s5+$0x0];
	v8 =	vshll.u32 v15, $0x8;
	v14 =	vor.u32 v5, v9  }
0x57: {  	v6 =	vnsel vm0, $0x0, v6;
	v7 =	vnsel vm1, $0x0, v7;
	v8 =	vand.u32 $0xFFFFF800, v8  }
0x58: {  	v12 =	vshll.u32 v2, $0x3;
	v10 =	vshll.u32 v7, $0x8;
	v7 =	vshll.u32 v7, $0x7  }
0x59: {  	v12 =	vand.u32 $0xFFFFFC00, v12;
	v5 =	vshll.u32 v6, $0x8;
	v13 =	vshll.u32 v4, $0x3  }
0x5a: {  	s6 =	simm.s32 $0x1000;
	v10 =	vand.u32 $0xFFFFF800, v10;
	v6 =	vshll.u32 v6, $0x7;
	v9 =	vand.u32 $0xFFFFF800, v5  }
0x5b: {  	s7 =	simm.s32 $0x0;
	s8 =	simm.s32 $0x60;
	v11 =	vshll.u32 v3, $0x3;
	v13 =	vand.u32 $0xFFFFFC00, v13;
	v5 =	vshll.u32 v15, $0x7;
	[tilespmem:v14+s6+$0x0] =	vst.idx.msk vm3, v0  }
.LBB2_3:
0x5c: {  	v9 =	vadd.s32 v12, v9;
	v10 =	vadd.s32 v13, v10  }
0x5d: {  	v14 =	vld [tilespmem:s8+$0x10];
	s7 =	sadd.s32 $0x4, s7;
	v11 =	vand.u32 $0xFFFFFC00, v11;
	vm4 =	vmmov vm1;
	vm3 =	vmmov vm2  }
0x5e: {  	v6 =	vand.u32 $0x380, v6;
	v7 =	vand.u32 $0x380, v7;
	v12 =	vld [tilespmem:s8+$0xFFFFFFF0];
	p0 =	slt.u32 s7, $0x7C;
	v8 =	vadd.s32 v11, v8  }
0x5f: {  	v5 =	vand.u32 $0x380, v5;
	s5 =	sadd.s32 $0x40, s5;
	v6 =	vor.u32 v6, v9;
	v7 =	vor.u32 v7, v10;
	v11 =	vld [tilespmem:s8+$0x0]  }
0x60: {  	v2 =	vand.u32 $0x7F, v2;
	v4 =	vand.u32 $0x7F, v4;
	v5 =	vor.u32 v5, v8;
	v9 =	vld [tilespmem:s5+$0x10]  }
0x61: {  	v3 =	vand.u32 $0x7F, v3;
	v6 =	vor.u32 v2, v6;
	v7 =	vor.u32 v4, v7;
	v8 =	vld [tilespmem:s8+$0xFFFFFFE0]  }
0x62: {  	v5 =	vor.u32 v3, v5;
	v2 =	vld [tilespmem:s5+$0xFFFFFFE0];
	v10 =	vsub.s32 v14, v1  }
0x63: {  	v4 =	vld [tilespmem:s5+$0xFFFFFFF0];
	v12 =	vsub.s32 v12, v1;
	vm5 =	vlt.u32 v10, $0x70  }
0x64: {  	vm1 =	vlt.u32 v12, $0x70;
	v3 =	vld [tilespmem:s5+$0x0];
	v11 =	vsub.s32 v11, v1;
	v10 =	vnsel vm5, $0x0, v10  }
0x65: {  	vm2 =	vlt.u32 v11, $0x70;
	v13 =	vshll.u32 v10, $0x8;
	v14 =	vshll.u32 v9, $0x3  }
0x66: {  	v10 =	vshll.u32 v10, $0x7;
	v13 =	vand.u32 $0xFFFFF800, v13;
	v14 =	vand.u32 $0xFFFFFC00, v14;
	[tilespmem:v6+s6+$0x0] =	vst.idx.msk vm0, v0  }
0x67: {  	v6 =	vsub.s32 v8, v1;
	v10 =	vand.u32 $0x380, v10;
	v8 =	vadd.s32 v14, v13;
	[tilespmem:v7+s6+$0x0] =	vst.idx.msk vm4, v0  }
0x68: {  	vm0 =	vlt.u32 v6, $0x70;
	v7 =	vand.u32 $0x7F, v9;
	v8 =	vor.u32 v10, v8;
	[tilespmem:v5+s6+$0x0] =	vst.idx.msk vm3, v0  }
0x69: {  	v12 =	vnsel vm1, $0x0, v12;
	v5 =	vnsel vm0, $0x0, v6;
	v14 =	vor.u32 v7, v8  }
.Ltmp1:
0x6a: {  	v15 =	vnsel vm2, $0x0, v11;
	v6 =	vshll.u32 v5, $0x8;
	v7 =	vshll.u32 v12, $0x8;
	(pc) =	sbr.rel @p0 .LBB2_3-.Ltmp1, $4  }
0x6b: {  	v13 =	vshll.u32 v2, $0x3;
	v16 =	vshll.u32 v4, $0x3;
	v8 =	vshll.u32 v15, $0x8  }
0x6c: {  	v11 =	vshll.u32 v3, $0x3;
	v9 =	vand.u32 $0xFFFFF800, v6;
	v10 =	vand.u32 $0xFFFFF800, v7  }
0x6d: {  	v6 =	vshll.u32 v5, $0x7;
	v7 =	vshll.u32 v12, $0x7;
	v8 =	vand.u32 $0xFFFFF800, v8  }
0x6e: {  	s8 =	sadd.s32 $0x40, s8;
	v12 =	vand.u32 $0xFFFFFC00, v13;
	v13 =	vand.u32 $0xFFFFFC00, v16;
	v5 =	vshll.u32 v15, $0x7;
	[tilespmem:v14+s6+$0x0] =	vst.idx.msk vm5, v0  }
0x6f: {  	v1 =	vadd.s32 v12, v9;
	v60 =	vadd.s32 v13, v10  }
0x70: {  	v61 =	vand.u32 $0xFFFFFC00, v11;
	vm1 =	vmmov vm1;
	vm2 =	vmmov vm2  }
0x71: {  	v6 =	vand.u32 $0x380, v6;
	v7 =	vand.u32 $0x380, v7;
	v2 =	vand.u32 $0x7F, v2  }
0x72: {  	v5 =	vand.u32 $0x380, v5;
	v4 =	vand.u32 $0x7F, v4;
	v1 =	vor.u32 v6, v1  }
0x73: {  	v8 =	vadd.s32 v61, v8;
	v62 =	vor.u32 v7, v60;
	v1 =	vor.u32 v2, v1  }
0x74: {  	v3 =	vand.u32 $0x7F, v3;
	v63 =	vor.u32 v5, v8;
	v4 =	vor.u32 v4, v62  }
0x75: {  	v2 =	vor.u32 v3, v63  }
0x76: {  	s3 =	smul.u32 $0xE000, s3  }
0x77: {  	s4 =	sshll.u32 s4, $0x8  }
0x78: {  	s3 =	sadd.s32 s3, s4;
	[tilespmem:v1+s6+$0x0] =	vst.idx.msk vm0, v0  }
0x79: {  	s29 =	simm.s32 $0x0;
	s3 =	sshrl.u32 s3, $0x3;
	[tilespmem:v4+s6+$0x0] =	vst.idx.msk vm1, v0  }
0x7a: {  	s30 =	simm.s32 $0x1000;
	s31 =	simm.s32 $0x2;
	s2 =	sadd.s32 s2, s3;
	[tilespmem:v2+s6+$0x0] =	vst.idx.msk vm2, v0  }
0x7b: {  	[hbm4b:s2+s29] =	stream.linear.scatter [tilespmem:s30], [sflag:$0x2], $0x7000, $0x38;
	[tilespmem:$0x8000] =	vst v63  }
0x7c: {  	_ =	swait.ge [sflag:s31], $0x7000  }
0x7d: {  	[sflag:s31] =	ssyncset.done $0x0  }
0x7e: {  	[sflag:s31] =	ssyncadd.s32 $0xFFFF9000  }
0x7f: {  	_ =	sfence.sel $0x180000  }
0x80: {  	[bflag:$0x0] =	sbarrier.arrive $0xFFFF  }
0x81: {  	p0 =	sne.s32 s1, $0x0;
	_ =	strace $0x90000047  }
0x82: {  	s0 =	sadd.s32 @!p0 $0x100000, s0;
	[bflag:$0x2] =	sbarrier.arrive $0xFFFF  }
0x83: {  	[sflag:s0] =	ssyncadd.tile.s32 @!p0 $0x1;
	_ =	shalt  }
.Lfunc_end2:
_tile_overlayer_lowered:
.L_overlay_start_2:
0x84: {  	(tag) =	ssettag $0x2  }
0x85: {  	s0 =	rddreg [dreg:$0x0];
	s2 =	stileid.u32  }
0x86: {  	s1 =	rddreg [dreg:$0x1];
	p0 =	sne.s32 s2, $0x0  }
0x87: {  	s3 =	rddreg [dreg:$0x2];
	[bflag:$0x3] =	sbarrier.arrive $0xFFFF;
	s2 =	simm.s32 @!p0 $0x1C02  }
0x88: {  	[timem:s3], [sflag:s2] =	dma.local @!p0 [hbm:s0], s1  }
0x89: {  	s0 =	simm.s32 @!p0 $0x2  }
0x8a: {  	_ =	swait.ge @!p0 [sflag:s0], s1  }
0x8b: {  	s1 =	ssub.s32 @!p0 $0x0, s1;
	[sflag:s0] =	ssyncset.done @!p0 $0x0  }
0x8c: {  	[sflag:s0] =	ssyncadd.s32 @!p0 s1  }
0x8d: {  	[bflag:$0x3] =	sbarrier.arrive $0xFFFF  }
0x8e: {  	_ =	shalt  }

</sc_bundles>
